<compile_context>
chip_gen: v7x
topology: tpu7x:2x2x1
jax: 0.10.2.dev20260603
libtpu: 0.0.44.dev20260713+nightly
codegen_flags: <defaults>
</compile_context>

<pallas_src>
import functools

import jax
import jax.numpy as jnp
from jax import lax
from jax.experimental import pallas as pl
from jax.experimental.pallas import tpu as pltpu
from jax.experimental.pallas import tpu_sc as plsc

_NUM_CORES = 2
_CHUNK_ROWS = 1024


def kernel(x, emb):
    batch = x.shape[0]
    n_rows, dim = emb.shape
    rows_per_c = n_rows // _NUM_CORES
    n_chunks = rows_per_c // _CHUNK_ROWS

    mesh = plsc.ScalarSubcoreMesh(axis_name="c", num_cores=_NUM_CORES)

    @functools.partial(
        pl.kernel,
        mesh=mesh,
        out_type=jax.ShapeDtypeStruct((batch, n_rows, dim), jnp.float32),
        scratch_types=[
            pltpu.VMEM_SHARED((_CHUNK_ROWS, dim), jnp.float32),
            pltpu.VMEM_SHARED((_CHUNK_ROWS, dim), jnp.float32),
            pltpu.SemaphoreType.DMA,
            pltpu.SemaphoreType.DMA,
        ],
    )
    def k(emb_hbm, out_hbm, buf0, buf1, sem_r, sem_w):
        cid = lax.axis_index("c")
        base = cid * rows_per_c
        bufs = (buf0, buf1)

        def read(i):
            r0 = base + i * _CHUNK_ROWS
            return pltpu.async_copy(
                emb_hbm.at[pl.ds(r0, _CHUNK_ROWS), :], bufs[i % 2], sem_r
            )

        def writes(i):
            r0 = base + i * _CHUNK_ROWS
            return [
                pltpu.async_copy(
                    bufs[i % 2], out_hbm.at[b, pl.ds(r0, _CHUNK_ROWS), :], sem_w
                )
                for b in range(batch)
            ]

        pending = [None] * n_chunks
        reads = [None] * n_chunks
        reads[0] = read(0)
        for i in range(n_chunks):
            reads[i].wait()
            pending[i] = writes(i)
            if i + 1 < n_chunks:
                if i - 1 >= 0:
                    for c in pending[i - 1]:
                        c.wait()
                    pending[i - 1] = None
                reads[i + 1] = read(i + 1)
        for ws in pending:
            if ws is not None:
                for c in ws:
                    c.wait()

    return k(emb)

# --- scband reference (transcript-rebuilt; emitter-appended) ---
"""Pipeline reference for scband-learnable-positional-encoding-23957327577107 (READ-ONLY COPY).

The authoritative reference and input builder live on the scoring server;
editing this copy changes nothing except your own understanding.
"""

import jax, jax.numpy as jnp
import numpy as np

EMB_DIM = 768
MAX_LEN = 8192
BATCH = 4
SEQ_LEN = 8192


def setup_inputs(seed: int = 0) -> dict:
    key = jax.random.key(seed)
    k_x, k_emb = jax.random.split(key)
    # x only supplies the shape [B, L]; values are arbitrary token ids
    x = jax.random.randint(k_x, (BATCH, SEQ_LEN), 0, 8192, dtype=jnp.int64 if jax.config.jax_enable_x64 else jnp.int32)
    # learned positional embedding table, like nn.Embedding(max_len, emb_dim)
    emb = jax.random.normal(k_emb, (MAX_LEN, EMB_DIM), dtype=jnp.float32)
    return {"x": x, "emb": emb}


def reference(x, emb):
    # pos = arange(L) broadcast to x's shape, then embedding lookup
    L = x.shape[1]
    pos = jnp.arange(L, dtype=jnp.int32)
    pos = jnp.broadcast_to(pos[None, :], x.shape)  # [B, L]
    out = jnp.take(emb, pos, axis=0)  # [B, L, emb_dim]
    return out

if __name__ == "__main__":
    import jax
    _d = setup_inputs()
    print(jax.jit(kernel)(*tuple(_d.values())))

</pallas_src>

<mosaic_0001>
#map = affine_map<(d0) -> (0, 0)>
#map1 = affine_map<(d0) -> (0, 0, 0)>
module attributes {stable_mosaic.version = 14 : i64} {
  func.func @k(%arg0: i32, %arg1: memref<8192x768xf32, #tpu.memory_space<hbm>>, %arg2: memref<4x8192x768xf32, #tpu.memory_space<hbm>>, %arg3: memref<1024x768xf32, #tpu.memory_space<vmem_shared>>, %arg4: memref<1024x768xf32, #tpu.memory_space<vmem_shared>>, %arg5: memref<!tpu.dma_semaphore, #tpu.memory_space<semaphore_mem>>, %arg6: memref<!tpu.dma_semaphore, #tpu.memory_space<semaphore_mem>>) attributes {dimension_semantics = [#tpu.dimension_semantics<core_parallel>], iteration_bounds = array<i64: 2>, scalar_prefetch = 0 : i64, scratch_operands = 4 : i64, tpu.core_type = #tpu.core_type<sc_scalar_subcore>, window_params = [{transform_indices = #map}, {transform_indices = #map1}]} {
    %mul3A = arith.constant 4096 : i32
    %mul3A_0 = arith.muli %arg0, %mul3A : i32
    %add3A = arith.constant 0 : i32
    %add3A_1 = arith.addi %mul3A_0, %add3A : i32
    %dma_start3A = arith.constant 0 : i32
    %dma_start3A_2 = tpu.memref_slice %arg1[%add3A_1, %dma_start3A] : memref<8192x768xf32, #tpu.memory_space<hbm>> -> memref<1024x768xf32, #tpu.memory_space<hbm>>
    tpu.enqueue_dma source(%dma_start3A_2 : memref<1024x768xf32, #tpu.memory_space<hbm>>) target(%arg3 : memref<1024x768xf32, #tpu.memory_space<vmem_shared>>) target_semaphore(%arg5 : memref<!tpu.dma_semaphore, #tpu.memory_space<semaphore_mem>>)
    %dma_wait3A = arith.constant 0 : i32
    %dma_wait3A_3 = tpu.memref_slice %arg1[%add3A_1, %dma_wait3A] : memref<8192x768xf32, #tpu.memory_space<hbm>> -> memref<1024x768xf32, #tpu.memory_space<hbm>>
    tpu.wait_dma2 semaphore(%arg5 : memref<!tpu.dma_semaphore, #tpu.memory_space<semaphore_mem>>) src(%dma_wait3A_3 : memref<1024x768xf32, #tpu.memory_space<hbm>>) dst(%arg3 : memref<1024x768xf32, #tpu.memory_space<vmem_shared>>)
    %add3A_4 = arith.constant 0 : i32
    %add3A_5 = arith.addi %mul3A_0, %add3A_4 : i32
    %dma_start3A_6 = arith.constant 0 : i32
    %dma_start3A_7 = arith.constant 0 : i32
    %dma_start3A_8 = tpu.memref_slice %arg2[%dma_start3A_6, %add3A_5, %dma_start3A_7] : memref<4x8192x768xf32, #tpu.memory_space<hbm>> -> memref<1x1024x768xf32, #tpu.memory_space<hbm>>
    %dma_start3A_9 = tpu.memref_squeeze %dma_start3A_8 : memref<1x1024x768xf32, #tpu.memory_space<hbm>> -> memref<1024x768xf32, #tpu.memory_space<hbm>>
    tpu.enqueue_dma source(%arg3 : memref<1024x768xf32, #tpu.memory_space<vmem_shared>>) target(%dma_start3A_9 : memref<1024x768xf32, #tpu.memory_space<hbm>>) target_semaphore(%arg6 : memref<!tpu.dma_semaphore, #tpu.memory_space<semaphore_mem>>)
    %dma_start3A_10 = arith.constant 1 : i32
    %dma_start3A_11 = arith.constant 0 : i32
    %dma_start3A_12 = tpu.memref_slice %arg2[%dma_start3A_10, %add3A_5, %dma_start3A_11] : memref<4x8192x768xf32, #tpu.memory_space<hbm>> -> memref<1x1024x768xf32, #tpu.memory_space<hbm>>
    %dma_start3A_13 = tpu.memref_squeeze %dma_start3A_12 : memref<1x1024x768xf32, #tpu.memory_space<hbm>> -> memref<1024x768xf32, #tpu.memory_space<hbm>>
    tpu.enqueue_dma source(%arg3 : memref<1024x768xf32, #tpu.memory_space<vmem_shared>>) target(%dma_start3A_13 : memref<1024x768xf32, #tpu.memory_space<hbm>>) target_semaphore(%arg6 : memref<!tpu.dma_semaphore, #tpu.memory_space<semaphore_mem>>)
    %dma_start3A_14 = arith.constant 2 : i32
    %dma_start3A_15 = arith.constant 0 : i32
    %dma_start3A_16 = tpu.memref_slice %arg2[%dma_start3A_14, %add3A_5, %dma_start3A_15] : memref<4x8192x768xf32, #tpu.memory_space<hbm>> -> memref<1x1024x768xf32, #tpu.memory_space<hbm>>
    %dma_start3A_17 = tpu.memref_squeeze %dma_start3A_16 : memref<1x1024x768xf32, #tpu.memory_space<hbm>> -> memref<1024x768xf32, #tpu.memory_space<hbm>>
    tpu.enqueue_dma source(%arg3 : memref<1024x768xf32, #tpu.memory_space<vmem_shared>>) target(%dma_start3A_17 : memref<1024x768xf32, #tpu.memory_space<hbm>>) target_semaphore(%arg6 : memref<!tpu.dma_semaphore, #tpu.memory_space<semaphore_mem>>)
    %dma_start3A_18 = arith.constant 3 : i32
    %dma_start3A_19 = arith.constant 0 : i32
    %dma_start3A_20 = tpu.memref_slice %arg2[%dma_start3A_18, %add3A_5, %dma_start3A_19] : memref<4x8192x768xf32, #tpu.memory_space<hbm>> -> memref<1x1024x768xf32, #tpu.memory_space<hbm>>
    %dma_start3A_21 = tpu.memref_squeeze %dma_start3A_20 : memref<1x1024x768xf32, #tpu.memory_space<hbm>> -> memref<1024x768xf32, #tpu.memory_space<hbm>>
    tpu.enqueue_dma source(%arg3 : memref<1024x768xf32, #tpu.memory_space<vmem_shared>>) target(%dma_start3A_21 : memref<1024x768xf32, #tpu.memory_space<hbm>>) target_semaphore(%arg6 : memref<!tpu.dma_semaphore, #tpu.memory_space<semaphore_mem>>)
    %add3A_22 = arith.constant 1024 : i32
    %add3A_23 = arith.addi %mul3A_0, %add3A_22 : i32
    %dma_start3A_24 = arith.constant 0 : i32
    %dma_start3A_25 = tpu.memref_slice %arg1[%add3A_23, %dma_start3A_24] : memref<8192x768xf32, #tpu.memory_space<hbm>> -> memref<1024x768xf32, #tpu.memory_space<hbm>>
    tpu.enqueue_dma source(%dma_start3A_25 : memref<1024x768xf32, #tpu.memory_space<hbm>>) target(%arg4 : memref<1024x768xf32, #tpu.memory_space<vmem_shared>>) target_semaphore(%arg5 : memref<!tpu.dma_semaphore, #tpu.memory_space<semaphore_mem>>)
    %dma_wait3A_26 = arith.constant 0 : i32
    %dma_wait3A_27 = tpu.memref_slice %arg1[%add3A_23, %dma_wait3A_26] : memref<8192x768xf32, #tpu.memory_space<hbm>> -> memref<1024x768xf32, #tpu.memory_space<hbm>>
    tpu.wait_dma2 semaphore(%arg5 : memref<!tpu.dma_semaphore, #tpu.memory_space<semaphore_mem>>) src(%dma_wait3A_27 : memref<1024x768xf32, #tpu.memory_space<hbm>>) dst(%arg4 : memref<1024x768xf32, #tpu.memory_space<vmem_shared>>)
    %add3A_28 = arith.constant 1024 : i32
    %add3A_29 = arith.addi %mul3A_0, %add3A_28 : i32
    %dma_start3A_30 = arith.constant 0 : i32
    %dma_start3A_31 = arith.constant 0 : i32
    %dma_start3A_32 = tpu.memref_slice %arg2[%dma_start3A_30, %add3A_29, %dma_start3A_31] : memref<4x8192x768xf32, #tpu.memory_space<hbm>> -> memref<1x1024x768xf32, #tpu.memory_space<hbm>>
    %dma_start3A_33 = tpu.memref_squeeze %dma_start3A_32 : memref<1x1024x768xf32, #tpu.memory_space<hbm>> -> memref<1024x768xf32, #tpu.memory_space<hbm>>
    tpu.enqueue_dma source(%arg4 : memref<1024x768xf32, #tpu.memory_space<vmem_shared>>) target(%dma_start3A_33 : memref<1024x768xf32, #tpu.memory_space<hbm>>) target_semaphore(%arg6 : memref<!tpu.dma_semaphore, #tpu.memory_space<semaphore_mem>>)
    %dma_start3A_34 = arith.constant 1 : i32
    %dma_start3A_35 = arith.constant 0 : i32
    %dma_start3A_36 = tpu.memref_slice %arg2[%dma_start3A_34, %add3A_29, %dma_start3A_35] : memref<4x8192x768xf32, #tpu.memory_space<hbm>> -> memref<1x1024x768xf32, #tpu.memory_space<hbm>>
    %dma_start3A_37 = tpu.memref_squeeze %dma_start3A_36 : memref<1x1024x768xf32, #tpu.memory_space<hbm>> -> memref<1024x768xf32, #tpu.memory_space<hbm>>
    tpu.enqueue_dma source(%arg4 : memref<1024x768xf32, #tpu.memory_space<vmem_shared>>) target(%dma_start3A_37 : memref<1024x768xf32, #tpu.memory_space<hbm>>) target_semaphore(%arg6 : memref<!tpu.dma_semaphore, #tpu.memory_space<semaphore_mem>>)
    %dma_start3A_38 = arith.constant 2 : i32
    %dma_start3A_39 = arith.constant 0 : i32
    %dma_start3A_40 = tpu.memref_slice %arg2[%dma_start3A_38, %add3A_29, %dma_start3A_39] : memref<4x8192x768xf32, #tpu.memory_space<hbm>> -> memref<1x1024x768xf32, #tpu.memory_space<hbm>>
    %dma_start3A_41 = tpu.memref_squeeze %dma_start3A_40 : memref<1x1024x768xf32, #tpu.memory_space<hbm>> -> memref<1024x768xf32, #tpu.memory_space<hbm>>
    tpu.enqueue_dma source(%arg4 : memref<1024x768xf32, #tpu.memory_space<vmem_shared>>) target(%dma_start3A_41 : memref<1024x768xf32, #tpu.memory_space<hbm>>) target_semaphore(%arg6 : memref<!tpu.dma_semaphore, #tpu.memory_space<semaphore_mem>>)
    %dma_start3A_42 = arith.constant 3 : i32
    %dma_start3A_43 = arith.constant 0 : i32
    %dma_start3A_44 = tpu.memref_slice %arg2[%dma_start3A_42, %add3A_29, %dma_start3A_43] : memref<4x8192x768xf32, #tpu.memory_space<hbm>> -> memref<1x1024x768xf32, #tpu.memory_space<hbm>>
    %dma_start3A_45 = tpu.memref_squeeze %dma_start3A_44 : memref<1x1024x768xf32, #tpu.memory_space<hbm>> -> memref<1024x768xf32, #tpu.memory_space<hbm>>
    tpu.enqueue_dma source(%arg4 : memref<1024x768xf32, #tpu.memory_space<vmem_shared>>) target(%dma_start3A_45 : memref<1024x768xf32, #tpu.memory_space<hbm>>) target_semaphore(%arg6 : memref<!tpu.dma_semaphore, #tpu.memory_space<semaphore_mem>>)
    %dma_wait3A_46 = arith.constant 0 : i32
    %dma_wait3A_47 = arith.constant 0 : i32
    %dma_wait3A_48 = tpu.memref_slice %arg2[%dma_wait3A_46, %add3A_5, %dma_wait3A_47] : memref<4x8192x768xf32, #tpu.memory_space<hbm>> -> memref<1x1024x768xf32, #tpu.memory_space<hbm>>
    %dma_wait3A_49 = tpu.memref_squeeze %dma_wait3A_48 : memref<1x1024x768xf32, #tpu.memory_space<hbm>> -> memref<1024x768xf32, #tpu.memory_space<hbm>>
    tpu.wait_dma2 semaphore(%arg6 : memref<!tpu.dma_semaphore, #tpu.memory_space<semaphore_mem>>) src(%arg3 : memref<1024x768xf32, #tpu.memory_space<vmem_shared>>) dst(%dma_wait3A_49 : memref<1024x768xf32, #tpu.memory_space<hbm>>)
    %dma_wait3A_50 = arith.constant 1 : i32
    %dma_wait3A_51 = arith.constant 0 : i32
    %dma_wait3A_52 = tpu.memref_slice %arg2[%dma_wait3A_50, %add3A_5, %dma_wait3A_51] : memref<4x8192x768xf32, #tpu.memory_space<hbm>> -> memref<1x1024x768xf32, #tpu.memory_space<hbm>>
    %dma_wait3A_53 = tpu.memref_squeeze %dma_wait3A_52 : memref<1x1024x768xf32, #tpu.memory_space<hbm>> -> memref<1024x768xf32, #tpu.memory_space<hbm>>
    tpu.wait_dma2 semaphore(%arg6 : memref<!tpu.dma_semaphore, #tpu.memory_space<semaphore_mem>>) src(%arg3 : memref<1024x768xf32, #tpu.memory_space<vmem_shared>>) dst(%dma_wait3A_53 : memref<1024x768xf32, #tpu.memory_space<hbm>>)
    %dma_wait3A_54 = arith.constant 2 : i32
    %dma_wait3A_55 = arith.constant 0 : i32
    %dma_wait3A_56 = tpu.memref_slice %arg2[%dma_wait3A_54, %add3A_5, %dma_wait3A_55] : memref<4x8192x768xf32, #tpu.memory_space<hbm>> -> memref<1x1024x768xf32, #tpu.memory_space<hbm>>
    %dma_wait3A_57 = tpu.memref_squeeze %dma_wait3A_56 : memref<1x1024x768xf32, #tpu.memory_space<hbm>> -> memref<1024x768xf32, #tpu.memory_space<hbm>>
    tpu.wait_dma2 semaphore(%arg6 : memref<!tpu.dma_semaphore, #tpu.memory_space<semaphore_mem>>) src(%arg3 : memref<1024x768xf32, #tpu.memory_space<vmem_shared>>) dst(%dma_wait3A_57 : memref<1024x768xf32, #tpu.memory_space<hbm>>)
    %dma_wait3A_58 = arith.constant 3 : i32
    %dma_wait3A_59 = arith.constant 0 : i32
    %dma_wait3A_60 = tpu.memref_slice %arg2[%dma_wait3A_58, %add3A_5, %dma_wait3A_59] : memref<4x8192x768xf32, #tpu.memory_space<hbm>> -> memref<1x1024x768xf32, #tpu.memory_space<hbm>>
    %dma_wait3A_61 = tpu.memref_squeeze %dma_wait3A_60 : memref<1x1024x768xf32, #tpu.memory_space<hbm>> -> memref<1024x768xf32, #tpu.memory_space<hbm>>
    tpu.wait_dma2 semaphore(%arg6 : memref<!tpu.dma_semaphore, #tpu.memory_space<semaphore_mem>>) src(%arg3 : memref<1024x768xf32, #tpu.memory_space<vmem_shared>>) dst(%dma_wait3A_61 : memref<1024x768xf32, #tpu.memory_space<hbm>>)
    %add3A_62 = arith.constant 2048 : i32
    %add3A_63 = arith.addi %mul3A_0, %add3A_62 : i32
    %dma_start3A_64 = arith.constant 0 : i32
    %dma_start3A_65 = tpu.memref_slice %arg1[%add3A_63, %dma_start3A_64] : memref<8192x768xf32, #tpu.memory_space<hbm>> -> memref<1024x768xf32, #tpu.memory_space<hbm>>
    tpu.enqueue_dma source(%dma_start3A_65 : memref<1024x768xf32, #tpu.memory_space<hbm>>) target(%arg3 : memref<1024x768xf32, #tpu.memory_space<vmem_shared>>) target_semaphore(%arg5 : memref<!tpu.dma_semaphore, #tpu.memory_space<semaphore_mem>>)
    %dma_wait3A_66 = arith.constant 0 : i32
    %dma_wait3A_67 = tpu.memref_slice %arg1[%add3A_63, %dma_wait3A_66] : memref<8192x768xf32, #tpu.memory_space<hbm>> -> memref<1024x768xf32, #tpu.memory_space<hbm>>
    tpu.wait_dma2 semaphore(%arg5 : memref<!tpu.dma_semaphore, #tpu.memory_space<semaphore_mem>>) src(%dma_wait3A_67 : memref<1024x768xf32, #tpu.memory_space<hbm>>) dst(%arg3 : memref<1024x768xf32, #tpu.memory_space<vmem_shared>>)
    %add3A_68 = arith.constant 2048 : i32
    %add3A_69 = arith.addi %mul3A_0, %add3A_68 : i32
    %dma_start3A_70 = arith.constant 0 : i32
    %dma_start3A_71 = arith.constant 0 : i32
    %dma_start3A_72 = tpu.memref_slice %arg2[%dma_start3A_70, %add3A_69, %dma_start3A_71] : memref<4x8192x768xf32, #tpu.memory_space<hbm>> -> memref<1x1024x768xf32, #tpu.memory_space<hbm>>
    %dma_start3A_73 = tpu.memref_squeeze %dma_start3A_72 : memref<1x1024x768xf32, #tpu.memory_space<hbm>> -> memref<1024x768xf32, #tpu.memory_space<hbm>>
    tpu.enqueue_dma source(%arg3 : memref<1024x768xf32, #tpu.memory_space<vmem_shared>>) target(%dma_start3A_73 : memref<1024x768xf32, #tpu.memory_space<hbm>>) target_semaphore(%arg6 : memref<!tpu.dma_semaphore, #tpu.memory_space<semaphore_mem>>)
    %dma_start3A_74 = arith.constant 1 : i32
    %dma_start3A_75 = arith.constant 0 : i32
    %dma_start3A_76 = tpu.memref_slice %arg2[%dma_start3A_74, %add3A_69, %dma_start3A_75] : memref<4x8192x768xf32, #tpu.memory_space<hbm>> -> memref<1x1024x768xf32, #tpu.memory_space<hbm>>
    %dma_start3A_77 = tpu.memref_squeeze %dma_start3A_76 : memref<1x1024x768xf32, #tpu.memory_space<hbm>> -> memref<1024x768xf32, #tpu.memory_space<hbm>>
    tpu.enqueue_dma source(%arg3 : memref<1024x768xf32, #tpu.memory_space<vmem_shared>>) target(%dma_start3A_77 : memref<1024x768xf32, #tpu.memory_space<hbm>>) target_semaphore(%arg6 : memref<!tpu.dma_semaphore, #tpu.memory_space<semaphore_mem>>)
    %dma_start3A_78 = arith.constant 2 : i32
    %dma_start3A_79 = arith.constant 0 : i32
    %dma_start3A_80 = tpu.memref_slice %arg2[%dma_start3A_78, %add3A_69, %dma_start3A_79] : memref<4x8192x768xf32, #tpu.memory_space<hbm>> -> memref<1x1024x768xf32, #tpu.memory_space<hbm>>
    %dma_start3A_81 = tpu.memref_squeeze %dma_start3A_80 : memref<1x1024x768xf32, #tpu.memory_space<hbm>> -> memref<1024x768xf32, #tpu.memory_space<hbm>>
    tpu.enqueue_dma source(%arg3 : memref<1024x768xf32, #tpu.memory_space<vmem_shared>>) target(%dma_start3A_81 : memref<1024x768xf32, #tpu.memory_space<hbm>>) target_semaphore(%arg6 : memref<!tpu.dma_semaphore, #tpu.memory_space<semaphore_mem>>)
    %dma_start3A_82 = arith.constant 3 : i32
    %dma_start3A_83 = arith.constant 0 : i32
    %dma_start3A_84 = tpu.memref_slice %arg2[%dma_start3A_82, %add3A_69, %dma_start3A_83] : memref<4x8192x768xf32, #tpu.memory_space<hbm>> -> memref<1x1024x768xf32, #tpu.memory_space<hbm>>
    %dma_start3A_85 = tpu.memref_squeeze %dma_start3A_84 : memref<1x1024x768xf32, #tpu.memory_space<hbm>> -> memref<1024x768xf32, #tpu.memory_space<hbm>>
    tpu.enqueue_dma source(%arg3 : memref<1024x768xf32, #tpu.memory_space<vmem_shared>>) target(%dma_start3A_85 : memref<1024x768xf32, #tpu.memory_space<hbm>>) target_semaphore(%arg6 : memref<!tpu.dma_semaphore, #tpu.memory_space<semaphore_mem>>)
    %dma_wait3A_86 = arith.constant 0 : i32
    %dma_wait3A_87 = arith.constant 0 : i32
    %dma_wait3A_88 = tpu.memref_slice %arg2[%dma_wait3A_86, %add3A_29, %dma_wait3A_87] : memref<4x8192x768xf32, #tpu.memory_space<hbm>> -> memref<1x1024x768xf32, #tpu.memory_space<hbm>>
    %dma_wait3A_89 = tpu.memref_squeeze %dma_wait3A_88 : memref<1x1024x768xf32, #tpu.memory_space<hbm>> -> memref<1024x768xf32, #tpu.memory_space<hbm>>
    tpu.wait_dma2 semaphore(%arg6 : memref<!tpu.dma_semaphore, #tpu.memory_space<semaphore_mem>>) src(%arg4 : memref<1024x768xf32, #tpu.memory_space<vmem_shared>>) dst(%dma_wait3A_89 : memref<1024x768xf32, #tpu.memory_space<hbm>>)
    %dma_wait3A_90 = arith.constant 1 : i32
    %dma_wait3A_91 = arith.constant 0 : i32
    %dma_wait3A_92 = tpu.memref_slice %arg2[%dma_wait3A_90, %add3A_29, %dma_wait3A_91] : memref<4x8192x768xf32, #tpu.memory_space<hbm>> -> memref<1x1024x768xf32, #tpu.memory_space<hbm>>
    %dma_wait3A_93 = tpu.memref_squeeze %dma_wait3A_92 : memref<1x1024x768xf32, #tpu.memory_space<hbm>> -> memref<1024x768xf32, #tpu.memory_space<hbm>>
    tpu.wait_dma2 semaphore(%arg6 : memref<!tpu.dma_semaphore, #tpu.memory_space<semaphore_mem>>) src(%arg4 : memref<1024x768xf32, #tpu.memory_space<vmem_shared>>) dst(%dma_wait3A_93 : memref<1024x768xf32, #tpu.memory_space<hbm>>)
    %dma_wait3A_94 = arith.constant 2 : i32
    %dma_wait3A_95 = arith.constant 0 : i32
    %dma_wait3A_96 = tpu.memref_slice %arg2[%dma_wait3A_94, %add3A_29, %dma_wait3A_95] : memref<4x8192x768xf32, #tpu.memory_space<hbm>> -> memref<1x1024x768xf32, #tpu.memory_space<hbm>>
    %dma_wait3A_97 = tpu.memref_squeeze %dma_wait3A_96 : memref<1x1024x768xf32, #tpu.memory_space<hbm>> -> memref<1024x768xf32, #tpu.memory_space<hbm>>
    tpu.wait_dma2 semaphore(%arg6 : memref<!tpu.dma_semaphore, #tpu.memory_space<semaphore_mem>>) src(%arg4 : memref<1024x768xf32, #tpu.memory_space<vmem_shared>>) dst(%dma_wait3A_97 : memref<1024x768xf32, #tpu.memory_space<hbm>>)
    %dma_wait3A_98 = arith.constant 3 : i32
    %dma_wait3A_99 = arith.constant 0 : i32
    %dma_wait3A_100 = tpu.memref_slice %arg2[%dma_wait3A_98, %add3A_29, %dma_wait3A_99] : memref<4x8192x768xf32, #tpu.memory_space<hbm>> -> memref<1x1024x768xf32, #tpu.memory_space<hbm>>
    %dma_wait3A_101 = tpu.memref_squeeze %dma_wait3A_100 : memref<1x1024x768xf32, #tpu.memory_space<hbm>> -> memref<1024x768xf32, #tpu.memory_space<hbm>>
    tpu.wait_dma2 semaphore(%arg6 : memref<!tpu.dma_semaphore, #tpu.memory_space<semaphore_mem>>) src(%arg4 : memref<1024x768xf32, #tpu.memory_space<vmem_shared>>) dst(%dma_wait3A_101 : memref<1024x768xf32, #tpu.memory_space<hbm>>)
    %add3A_102 = arith.constant 3072 : i32
    %add3A_103 = arith.addi %mul3A_0, %add3A_102 : i32
    %dma_start3A_104 = arith.constant 0 : i32
    %dma_start3A_105 = tpu.memref_slice %arg1[%add3A_103, %dma_start3A_104] : memref<8192x768xf32, #tpu.memory_space<hbm>> -> memref<1024x768xf32, #tpu.memory_space<hbm>>
    tpu.enqueue_dma source(%dma_start3A_105 : memref<1024x768xf32, #tpu.memory_space<hbm>>) target(%arg4 : memref<1024x768xf32, #tpu.memory_space<vmem_shared>>) target_semaphore(%arg5 : memref<!tpu.dma_semaphore, #tpu.memory_space<semaphore_mem>>)
    %dma_wait3A_106 = arith.constant 0 : i32
    %dma_wait3A_107 = tpu.memref_slice %arg1[%add3A_103, %dma_wait3A_106] : memref<8192x768xf32, #tpu.memory_space<hbm>> -> memref<1024x768xf32, #tpu.memory_space<hbm>>
    tpu.wait_dma2 semaphore(%arg5 : memref<!tpu.dma_semaphore, #tpu.memory_space<semaphore_mem>>) src(%dma_wait3A_107 : memref<1024x768xf32, #tpu.memory_space<hbm>>) dst(%arg4 : memref<1024x768xf32, #tpu.memory_space<vmem_shared>>)
    %add3A_108 = arith.constant 3072 : i32
    %add3A_109 = arith.addi %mul3A_0, %add3A_108 : i32
    %dma_start3A_110 = arith.constant 0 : i32
    %dma_start3A_111 = arith.constant 0 : i32
    %dma_start3A_112 = tpu.memref_slice %arg2[%dma_start3A_110, %add3A_109, %dma_start3A_111] : memref<4x8192x768xf32, #tpu.memory_space<hbm>> -> memref<1x1024x768xf32, #tpu.memory_space<hbm>>
    %dma_start3A_113 = tpu.memref_squeeze %dma_start3A_112 : memref<1x1024x768xf32, #tpu.memory_space<hbm>> -> memref<1024x768xf32, #tpu.memory_space<hbm>>
    tpu.enqueue_dma source(%arg4 : memref<1024x768xf32, #tpu.memory_space<vmem_shared>>) target(%dma_start3A_113 : memref<1024x768xf32, #tpu.memory_space<hbm>>) target_semaphore(%arg6 : memref<!tpu.dma_semaphore, #tpu.memory_space<semaphore_mem>>)
    %dma_start3A_114 = arith.constant 1 : i32
    %dma_start3A_115 = arith.constant 0 : i32
    %dma_start3A_116 = tpu.memref_slice %arg2[%dma_start3A_114, %add3A_109, %dma_start3A_115] : memref<4x8192x768xf32, #tpu.memory_space<hbm>> -> memref<1x1024x768xf32, #tpu.memory_space<hbm>>
    %dma_start3A_117 = tpu.memref_squeeze %dma_start3A_116 : memref<1x1024x768xf32, #tpu.memory_space<hbm>> -> memref<1024x768xf32, #tpu.memory_space<hbm>>
    tpu.enqueue_dma source(%arg4 : memref<1024x768xf32, #tpu.memory_space<vmem_shared>>) target(%dma_start3A_117 : memref<1024x768xf32, #tpu.memory_space<hbm>>) target_semaphore(%arg6 : memref<!tpu.dma_semaphore, #tpu.memory_space<semaphore_mem>>)
    %dma_start3A_118 = arith.constant 2 : i32
    %dma_start3A_119 = arith.constant 0 : i32
    %dma_start3A_120 = tpu.memref_slice %arg2[%dma_start3A_118, %add3A_109, %dma_start3A_119] : memref<4x8192x768xf32, #tpu.memory_space<hbm>> -> memref<1x1024x768xf32, #tpu.memory_space<hbm>>
    %dma_start3A_121 = tpu.memref_squeeze %dma_start3A_120 : memref<1x1024x768xf32, #tpu.memory_space<hbm>> -> memref<1024x768xf32, #tpu.memory_space<hbm>>
    tpu.enqueue_dma source(%arg4 : memref<1024x768xf32, #tpu.memory_space<vmem_shared>>) target(%dma_start3A_121 : memref<1024x768xf32, #tpu.memory_space<hbm>>) target_semaphore(%arg6 : memref<!tpu.dma_semaphore, #tpu.memory_space<semaphore_mem>>)
    %dma_start3A_122 = arith.constant 3 : i32
    %dma_start3A_123 = arith.constant 0 : i32
    %dma_start3A_124 = tpu.memref_slice %arg2[%dma_start3A_122, %add3A_109, %dma_start3A_123] : memref<4x8192x768xf32, #tpu.memory_space<hbm>> -> memref<1x1024x768xf32, #tpu.memory_space<hbm>>
    %dma_start3A_125 = tpu.memref_squeeze %dma_start3A_124 : memref<1x1024x768xf32, #tpu.memory_space<hbm>> -> memref<1024x768xf32, #tpu.memory_space<hbm>>
    tpu.enqueue_dma source(%arg4 : memref<1024x768xf32, #tpu.memory_space<vmem_shared>>) target(%dma_start3A_125 : memref<1024x768xf32, #tpu.memory_space<hbm>>) target_semaphore(%arg6 : memref<!tpu.dma_semaphore, #tpu.memory_space<semaphore_mem>>)
    %dma_wait3A_126 = arith.constant 0 : i32
    %dma_wait3A_127 = arith.constant 0 : i32
    %dma_wait3A_128 = tpu.memref_slice %arg2[%dma_wait3A_126, %add3A_69, %dma_wait3A_127] : memref<4x8192x768xf32, #tpu.memory_space<hbm>> -> memref<1x1024x768xf32, #tpu.memory_space<hbm>>
    %dma_wait3A_129 = tpu.memref_squeeze %dma_wait3A_128 : memref<1x1024x768xf32, #tpu.memory_space<hbm>> -> memref<1024x768xf32, #tpu.memory_space<hbm>>
    tpu.wait_dma2 semaphore(%arg6 : memref<!tpu.dma_semaphore, #tpu.memory_space<semaphore_mem>>) src(%arg3 : memref<1024x768xf32, #tpu.memory_space<vmem_shared>>) dst(%dma_wait3A_129 : memref<1024x768xf32, #tpu.memory_space<hbm>>)
    %dma_wait3A_130 = arith.constant 1 : i32
    %dma_wait3A_131 = arith.constant 0 : i32
    %dma_wait3A_132 = tpu.memref_slice %arg2[%dma_wait3A_130, %add3A_69, %dma_wait3A_131] : memref<4x8192x768xf32, #tpu.memory_space<hbm>> -> memref<1x1024x768xf32, #tpu.memory_space<hbm>>
    %dma_wait3A_133 = tpu.memref_squeeze %dma_wait3A_132 : memref<1x1024x768xf32, #tpu.memory_space<hbm>> -> memref<1024x768xf32, #tpu.memory_space<hbm>>
    tpu.wait_dma2 semaphore(%arg6 : memref<!tpu.dma_semaphore, #tpu.memory_space<semaphore_mem>>) src(%arg3 : memref<1024x768xf32, #tpu.memory_space<vmem_shared>>) dst(%dma_wait3A_133 : memref<1024x768xf32, #tpu.memory_space<hbm>>)
    %dma_wait3A_134 = arith.constant 2 : i32
    %dma_wait3A_135 = arith.constant 0 : i32
    %dma_wait3A_136 = tpu.memref_slice %arg2[%dma_wait3A_134, %add3A_69, %dma_wait3A_135] : memref<4x8192x768xf32, #tpu.memory_space<hbm>> -> memref<1x1024x768xf32, #tpu.memory_space<hbm>>
    %dma_wait3A_137 = tpu.memref_squeeze %dma_wait3A_136 : memref<1x1024x768xf32, #tpu.memory_space<hbm>> -> memref<1024x768xf32, #tpu.memory_space<hbm>>
    tpu.wait_dma2 semaphore(%arg6 : memref<!tpu.dma_semaphore, #tpu.memory_space<semaphore_mem>>) src(%arg3 : memref<1024x768xf32, #tpu.memory_space<vmem_shared>>) dst(%dma_wait3A_137 : memref<1024x768xf32, #tpu.memory_space<hbm>>)
    %dma_wait3A_138 = arith.constant 3 : i32
    %dma_wait3A_139 = arith.constant 0 : i32
    %dma_wait3A_140 = tpu.memref_slice %arg2[%dma_wait3A_138, %add3A_69, %dma_wait3A_139] : memref<4x8192x768xf32, #tpu.memory_space<hbm>> -> memref<1x1024x768xf32, #tpu.memory_space<hbm>>
    %dma_wait3A_141 = tpu.memref_squeeze %dma_wait3A_140 : memref<1x1024x768xf32, #tpu.memory_space<hbm>> -> memref<1024x768xf32, #tpu.memory_space<hbm>>
    tpu.wait_dma2 semaphore(%arg6 : memref<!tpu.dma_semaphore, #tpu.memory_space<semaphore_mem>>) src(%arg3 : memref<1024x768xf32, #tpu.memory_space<vmem_shared>>) dst(%dma_wait3A_141 : memref<1024x768xf32, #tpu.memory_space<hbm>>)
    %dma_wait3A_142 = arith.constant 0 : i32
    %dma_wait3A_143 = arith.constant 0 : i32
    %dma_wait3A_144 = tpu.memref_slice %arg2[%dma_wait3A_142, %add3A_109, %dma_wait3A_143] : memref<4x8192x768xf32, #tpu.memory_space<hbm>> -> memref<1x1024x768xf32, #tpu.memory_space<hbm>>
    %dma_wait3A_145 = tpu.memref_squeeze %dma_wait3A_144 : memref<1x1024x768xf32, #tpu.memory_space<hbm>> -> memref<1024x768xf32, #tpu.memory_space<hbm>>
    tpu.wait_dma2 semaphore(%arg6 : memref<!tpu.dma_semaphore, #tpu.memory_space<semaphore_mem>>) src(%arg4 : memref<1024x768xf32, #tpu.memory_space<vmem_shared>>) dst(%dma_wait3A_145 : memref<1024x768xf32, #tpu.memory_space<hbm>>)
    %dma_wait3A_146 = arith.constant 1 : i32
    %dma_wait3A_147 = arith.constant 0 : i32
    %dma_wait3A_148 = tpu.memref_slice %arg2[%dma_wait3A_146, %add3A_109, %dma_wait3A_147] : memref<4x8192x768xf32, #tpu.memory_space<hbm>> -> memref<1x1024x768xf32, #tpu.memory_space<hbm>>
    %dma_wait3A_149 = tpu.memref_squeeze %dma_wait3A_148 : memref<1x1024x768xf32, #tpu.memory_space<hbm>> -> memref<1024x768xf32, #tpu.memory_space<hbm>>
    tpu.wait_dma2 semaphore(%arg6 : memref<!tpu.dma_semaphore, #tpu.memory_space<semaphore_mem>>) src(%arg4 : memref<1024x768xf32, #tpu.memory_space<vmem_shared>>) dst(%dma_wait3A_149 : memref<1024x768xf32, #tpu.memory_space<hbm>>)
    %dma_wait3A_150 = arith.constant 2 : i32
    %dma_wait3A_151 = arith.constant 0 : i32
    %dma_wait3A_152 = tpu.memref_slice %arg2[%dma_wait3A_150, %add3A_109, %dma_wait3A_151] : memref<4x8192x768xf32, #tpu.memory_space<hbm>> -> memref<1x1024x768xf32, #tpu.memory_space<hbm>>
    %dma_wait3A_153 = tpu.memref_squeeze %dma_wait3A_152 : memref<1x1024x768xf32, #tpu.memory_space<hbm>> -> memref<1024x768xf32, #tpu.memory_space<hbm>>
    tpu.wait_dma2 semaphore(%arg6 : memref<!tpu.dma_semaphore, #tpu.memory_space<semaphore_mem>>) src(%arg4 : memref<1024x768xf32, #tpu.memory_space<vmem_shared>>) dst(%dma_wait3A_153 : memref<1024x768xf32, #tpu.memory_space<hbm>>)
    %dma_wait3A_154 = arith.constant 3 : i32
    %dma_wait3A_155 = arith.constant 0 : i32
    %dma_wait3A_156 = tpu.memref_slice %arg2[%dma_wait3A_154, %add3A_109, %dma_wait3A_155] : memref<4x8192x768xf32, #tpu.memory_space<hbm>> -> memref<1x1024x768xf32, #tpu.memory_space<hbm>>
    %dma_wait3A_157 = tpu.memref_squeeze %dma_wait3A_156 : memref<1x1024x768xf32, #tpu.memory_space<hbm>> -> memref<1024x768xf32, #tpu.memory_space<hbm>>
    tpu.wait_dma2 semaphore(%arg6 : memref<!tpu.dma_semaphore, #tpu.memory_space<semaphore_mem>>) src(%arg4 : memref<1024x768xf32, #tpu.memory_space<vmem_shared>>) dst(%dma_wait3A_157 : memref<1024x768xf32, #tpu.memory_space<hbm>>)
    return
  }
}

</mosaic_0001>

<sc_bundles>
// kernel: kernel.3.cloned.1.call-start
scs
__scs_entry_jumppad:
0x0: {  	(pc) =	sbr.rel $0x88, $3  }
0x1: {  	(tag) =	ssettag $0x0;
	lr =	simm.s32 $0x1  }
0x2: {  	[smem:$0x3FA0] =	sst lr;
	_ =	strace $0xD0000000  }
0x3: {  	_ = 	snop  }
0x4: {  	_ = 	snop  }
0x5: {  	_ = 	snop  }
0x6: {  	_ = 	snop  }
0x7: {  	_ = 	snop  }
__scs_overlays_trampoline_lowered:
0x8: {  	[smem:$0x3FAF] =	sst s0  }
0x9: {  	[smem:$0x3FB0] =	sst s1  }
0xa: {  	[smem:$0x3FB1] =	sst s2  }
0xb: {  	[smem:$0x3FB2] =	sst s3  }
0xc: {  	[smem:$0x3FB3] =	sst s4  }
0xd: {  	[smem:$0x3FB4] =	sst s5  }
0xe: {  	[smem:$0x3FB5] =	sst s6  }
0xf: {  	[smem:$0x3FB6] =	sst s7  }
0x10: {  	[smem:$0x3FB7] =	sst s8  }
0x11: {  	[smem:$0x3FB8] =	sst s9;
	s0 =	simm.s32 @!p0 $0x0  }
0x12: {  	s1 =	sld [smem:$0x3F9E];
	s0 =	simm.s32 @p0 $0x1  }
0x13: {  	[smem:$0x3FB9] =	sst s0;
	s0 =	simm.s32 @!p1 $0x0  }
0x14: {  	s2 =	sld [smem:$0x3F9D];
	s0 =	simm.s32 @p1 $0x1  }
0x15: {  	[smem:$0x3FBA] =	sst s0;
	s0 =	simm.s32 @!p2 $0x0  }
0x16: {  	s3 =	sld [smem:$0x3FDB];
	s0 =	simm.s32 @p2 $0x1  }
0x17: {  	s4 =	simm.s32 $0x1BF5;
	[smem:$0x3FBC] =	sst s0  }
0x18: {  	s0 =	sld [smem:$0x3F9F];
	_ =	swait.ge [sflag:s4], $0x0  }
0x19: {  	s7 =	sld [smem:$0x3FA0]  }
0x1a: {  	s8 =	sadd.s32 $0xFFFFE003, lr  }
0x1b: {  	s9 =	sadd.s32 $0xFFFFFEF7, lr;
	s5 =	simm.s32 $0xFFFFFFFF;
	p2 =	slt.u32 s8, $0xFFFFF086  }
0x1c: {  	p1 =	slt.u32 s9, $0xF7A;
	s5 =	simm.s32 @!p2 $0x0  }
0x1d: {  	s5 =	simm.s32 @p1 $0x1;
	p0 =	seq.s32 s7, s2  }
0x1e: {  	s7 =	smul.u32 @!p0 $0xF7A, s2;
	p2 =	seq.s32 @!p0 s5, $0x0  }
0x1f: {  	s9 =	smul.u32 $0xF7A, s1;
	s8 =	simm.s32 @!p0 $0x1BF5;
	p2 =	por !p2, p0  }
0x20: {  	[sflag:s8] =	ssyncset.s32 @!p0 $0xFFFFF086;
	s6 =	sadd.s32 @!p0 s3, s7;
	s7 =	simm.s32 @!p0 $0x108  }
0x21: {  	s3 =	sadd.s32 s3, s9;
	s6 =	sadd.s32 @!p0 $0x88, s6;
	s7 =	simm.s32 @p2 $0x1082  }
0x22: {  	[simem:s7], [sflag:s8] =	dma.local @!p0 [hbm:s6], $0xF7A  }
0x23: {  	s9 =	sor.u32 $0xD0000000, s2;
	s6 =	simm.s32 $0x108;
	_ =	swait.ge @!p0 [sflag:s8], $0x0  }
0x24: {  	s3 =	sadd.s32 $0x88, s3;
	s6 =	simm.s32 @!p1 $0x1082;
	[sflag:s4] =	ssyncset.s32 $0xFFFFF086  }
0x25: {  	[simem:s6], [sflag:s4] =	dma.local [hbm:s3], $0xF7A  }
0x26: {  	[smem:$0x3FA0] =	sst s1;
	(tag) =	ssettag s2;
	_ =	strace s9  }
0x27: {  	s1 =	sld [smem:$0x3FB0]  }
0x28: {  	s2 =	sld [smem:$0x3FB1]  }
0x29: {  	s4 =	sld [smem:$0x3FB3]  }
0x2a: {  	p0 =	seq.s32 s5, $0x0;
	s5 =	sld [smem:$0x3FB4]  }
0x2b: {  	s6 =	sld [smem:$0x3FB5]  }
0x2c: {  	s7 =	sld [smem:$0x3FB6]  }
0x2d: {  	s3 =	simm.s32 $0x108;
	s8 =	sld [smem:$0x3FB7]  }
0x2e: {  	s3 =	simm.s32 @!p0 $0x1082;
	s9 =	sld [smem:$0x3FB8]  }
0x2f: {  	lr =	sadd.s32 s0, s3;
	s0 =	sld [smem:$0x3FAF]  }
0x30: {  	s3 =	sld [smem:$0x3FB2]  }
0x31: {  	[smem:$0x3FBB] =	sst s10  }
0x32: {  	s10 =	sld [smem:$0x3FB9];
	_ =	sdelay $0x3  }
0x33: {  	p0 =	seq.s32 s10, $0x1;
	s10 =	sld [smem:$0x3FBB];
	_ =	sdelay $0x3  }
0x34: {  	[smem:$0x3FBB] =	sst s10  }
0x35: {  	s10 =	sld [smem:$0x3FBA];
	_ =	sdelay $0x3  }
0x36: {  	p1 =	seq.s32 s10, $0x1;
	s10 =	sld [smem:$0x3FBB];
	_ =	sdelay $0x3  }
0x37: {  	[smem:$0x3FBB] =	sst s10  }
0x38: {  	s10 =	sld [smem:$0x3FBC]  }
0x39: {  	_ = 	snop;
	(pc) =	sbr.ind lr, $3  }
0x3a: {  	_ = 	snop  }
0x3b: {  	_ = 	snop  }
0x3c: {  	p2 =	seq.s32 s10, $0x1;
	s10 =	sld [smem:$0x3FBB]  }
0x3d: {  	_ =	shalt  }
0x3e: {  	_ =	shalt  }
0x3f: {  	_ =	shalt  }
0x40: {  	_ =	shalt  }
0x41: {  	_ =	shalt  }
0x42: {  	_ =	shalt  }
0x43: {  	_ =	shalt  }
0x44: {  	_ =	shalt  }
0x45: {  	_ =	shalt  }
0x46: {  	_ =	shalt  }
0x47: {  	_ =	shalt  }
0x48: {  	_ =	shalt  }
0x49: {  	_ =	shalt  }
0x4a: {  	_ =	shalt  }
0x4b: {  	_ =	shalt  }
0x4c: {  	_ =	shalt  }
0x4d: {  	_ =	shalt  }
0x4e: {  	_ =	shalt  }
0x4f: {  	_ =	shalt  }
0x50: {  	_ =	shalt  }
0x51: {  	_ =	shalt  }
0x52: {  	_ =	shalt  }
0x53: {  	_ =	shalt  }
0x54: {  	_ =	shalt  }
0x55: {  	_ =	shalt  }
0x56: {  	_ =	shalt  }
0x57: {  	_ =	shalt  }
0x58: {  	_ =	shalt  }
0x59: {  	_ =	shalt  }
0x5a: {  	_ =	shalt  }
0x5b: {  	_ =	shalt  }
0x5c: {  	_ =	shalt  }
0x5d: {  	_ =	shalt  }
0x5e: {  	_ =	shalt  }
0x5f: {  	_ =	shalt  }
0x60: {  	_ =	shalt  }
0x61: {  	_ =	shalt  }
0x62: {  	_ =	shalt  }
0x63: {  	_ =	shalt  }
0x64: {  	_ =	shalt  }
0x65: {  	_ =	shalt  }
0x66: {  	_ =	shalt  }
0x67: {  	_ =	shalt  }
0x68: {  	_ =	shalt  }
0x69: {  	_ =	shalt  }
0x6a: {  	_ =	shalt  }
0x6b: {  	_ =	shalt  }
0x6c: {  	_ =	shalt  }
0x6d: {  	_ =	shalt  }
0x6e: {  	_ =	shalt  }
0x6f: {  	_ =	shalt  }
0x70: {  	_ =	shalt  }
0x71: {  	_ =	shalt  }
0x72: {  	_ =	shalt  }
0x73: {  	_ =	shalt  }
0x74: {  	_ =	shalt  }
0x75: {  	_ =	shalt  }
0x76: {  	_ =	shalt  }
0x77: {  	_ =	shalt  }
0x78: {  	_ =	shalt  }
0x79: {  	_ =	shalt  }
0x7a: {  	_ =	shalt  }
0x7b: {  	_ =	shalt  }
0x7c: {  	_ =	shalt  }
0x7d: {  	_ =	shalt  }
0x7e: {  	_ =	shalt  }
0x7f: {  	_ =	shalt  }
0x80: {  	_ =	shalt  }
0x81: {  	_ =	shalt  }
0x82: {  	_ =	shalt  }
0x83: {  	_ =	shalt  }
0x84: {  	_ =	shalt  }
0x85: {  	_ =	shalt  }
0x86: {  	_ =	shalt  }
0x87: {  	_ =	shalt  }
.Lfunc_end0:
.L_simem_size_0:
called_computation_lowered:
.L_overlay_start_0:
0x88: {  	s2 =	sld [smem:$0x3FD9]  }
0x89: {  	s3 =	sld [smem:$0x3FFE];
	_ =	sdelay $0x1  }
0x8a: {  	s1 =	srdreg.scid  }
0x8b: {  	s0 =	sand.u32 $0x1, s1  }
0x8c: {  	s30 =	sshll.u32 s0, $0xA;
	s2 =	sadd.s32 s3, s2  }
0x8d: {  	s2 =	sadd.s32 s2, s30  }
0x8e: {  	s5 =	simm.s32 $0x0;
	[smem:$0x3FC7] =	sst s2  }
0x8f: {  	[smem:$0xF] =	sst s5  }
0x90: {  	s4 =	sld [smem:$0x3FC9]  }
0x91: {  	s31 =	sld [smem:$0x3FD0];
	(tm) =	ssettm $0x1  }
0x92: {  	s9 =	sld [smem:$0x3FFB];
	_ =	sdelay $0x3  }
0x93: {  	_ =	strace s9  }
0x94: {  	s2 =	sld [smem:$0x3FFC];
	_ =	sdelay $0x3  }
0x95: {  	_ =	strace s2  }
0x96: {  	s2 =	sld [smem:$0x3FFD];
	_ =	sdelay $0x3  }
0x97: {  	_ =	strace s2  }
0x98: {  	s10 =	simm.s32 $0x1B8B;
	_ =	strace $0x8FFFFFFF  }
0x99: {  	_ =	swait.ge [sflag:s10], $0x1  }
0x9a: {  	s6 =	smul.u32 $0x300000, s0;
	[sflag:s10] =	ssyncset.done $0x0  }
0x9b: {  	s11 =	simm.s32 $0x1B8E;
	s7 =	simm.s32 $0x9;
	[sflag:s10] =	ssyncadd.s32 $0xFFFFFFFF  }
0x9c: {  	s13 =	simm.s32 $0xA;
	s8 =	sshrl.u32 s6, $0x3;
	[smem:$0x3FD2] =	sst s11  }
0x9d: {  	s12 =	sadd.s32 s8, s4;
	s6 =	sadd.s32 s8, s31;
	_ =	strace $0x80000046  }
0x9e: {  	[spmem:s5], [sflag:s7] =	dma.local [hbm:s12], $0x18000  }
0x9f: {  	s16 =	simm.s32 $0x18000;
	s9 =	sadd.s32 $0xC0000, s6;
	_ =	swait.ge [sflag:s7], $0x18000  }
0xa0: {  	s14 =	sadd.s32 $0x180000, s6;
	s10 =	sor.u32 $0x18000, s8;
	[sflag:s7] =	ssyncset.done $0x0  }
0xa1: {  	s15 =	sadd.s32 $0x240000, s6;
	s11 =	sadd.s32 s10, s4;
	[sflag:s7] =	ssyncadd.s32 $0xFFFE8000  }
0xa2: {  	[hbm:s6], [sflag:s13] =	dma.local [spmem:s5], $0x18000  }
0xa3: {  	[hbm:s9], [sflag:s13] =	dma.local [spmem:s5], $0x18000  }
0xa4: {  	[hbm:s14], [sflag:s13] =	dma.local [spmem:s5], $0x18000  }
0xa5: {  	[hbm:s15], [sflag:s13] =	dma.local [spmem:s5], $0x18000  }
0xa6: {  	[spmem:s16], [sflag:s7] =	dma.local [hbm:s11], $0x18000  }
0xa7: {  	_ =	swait.ge [sflag:s7], $0x18000  }
0xa8: {  	s17 =	sadd.s32 $0xD8000, s6;
	s18 =	sadd.s32 $0x198000, s6;
	[sflag:s7] =	ssyncset.done $0x0  }
0xa9: {  	s19 =	sadd.s32 $0x258000, s6;
	s10 =	sadd.s32 s10, s31;
	[sflag:s7] =	ssyncadd.s32 $0xFFFE8000  }
0xaa: {  	[hbm:s10], [sflag:s13] =	dma.local [spmem:s16], $0x18000  }
0xab: {  	[hbm:s17], [sflag:s13] =	dma.local [spmem:s16], $0x18000  }
0xac: {  	[hbm:s18], [sflag:s13] =	dma.local [spmem:s16], $0x18000  }
0xad: {  	[hbm:s19], [sflag:s13] =	dma.local [spmem:s16], $0x18000  }
0xae: {  	_ =	swait.ge [sflag:s13], $0x18000  }
0xaf: {  	[sflag:s13] =	ssyncset.done $0x0  }
0xb0: {  	[sflag:s13] =	ssyncadd.s32 $0xFFFE8000;
	_ =	sdelay $0x2  }
0xb1: {  	_ =	swait.ge [sflag:s13], $0x18000  }
0xb2: {  	[sflag:s13] =	ssyncset.done $0x0  }
0xb3: {  	[sflag:s13] =	ssyncadd.s32 $0xFFFE8000;
	_ =	sdelay $0x2  }
0xb4: {  	_ =	swait.ge [sflag:s13], $0x18000  }
0xb5: {  	[sflag:s13] =	ssyncset.done $0x0  }
0xb6: {  	[sflag:s13] =	ssyncadd.s32 $0xFFFE8000;
	_ =	sdelay $0x2  }
0xb7: {  	_ =	swait.ge [sflag:s13], $0x18000  }
0xb8: {  	[sflag:s13] =	ssyncset.done $0x0  }
0xb9: {  	s20 =	sadd.s32 $0x30000, s8;
	[sflag:s13] =	ssyncadd.s32 $0xFFFE8000  }
0xba: {  	s21 =	sadd.s32 s20, s4  }
0xbb: {  	[spmem:s5], [sflag:s7] =	dma.local [hbm:s21], $0x18000  }
0xbc: {  	_ =	swait.ge [sflag:s7], $0x18000  }
0xbd: {  	s22 =	sadd.s32 $0xF0000, s6;
	s23 =	sadd.s32 $0x1B0000, s6;
	[sflag:s7] =	ssyncset.done $0x0  }
0xbe: {  	s24 =	sadd.s32 $0x270000, s6;
	s10 =	sadd.s32 s20, s31;
	[sflag:s7] =	ssyncadd.s32 $0xFFFE8000  }
0xbf: {  	[hbm:s10], [sflag:s13] =	dma.local [spmem:s5], $0x18000  }
0xc0: {  	[hbm:s22], [sflag:s13] =	dma.local [spmem:s5], $0x18000  }
0xc1: {  	[hbm:s23], [sflag:s13] =	dma.local [spmem:s5], $0x18000  }
0xc2: {  	[hbm:s24], [sflag:s13] =	dma.local [spmem:s5], $0x18000  }
0xc3: {  	_ =	swait.ge [sflag:s13], $0x18000  }
0xc4: {  	[sflag:s13] =	ssyncset.done $0x0  }
0xc5: {  	[sflag:s13] =	ssyncadd.s32 $0xFFFE8000;
	_ =	sdelay $0x2  }
0xc6: {  	_ =	swait.ge [sflag:s13], $0x18000  }
0xc7: {  	[sflag:s13] =	ssyncset.done $0x0  }
0xc8: {  	[sflag:s13] =	ssyncadd.s32 $0xFFFE8000;
	_ =	sdelay $0x2  }
0xc9: {  	_ =	swait.ge [sflag:s13], $0x18000  }
0xca: {  	[sflag:s13] =	ssyncset.done $0x0  }
0xcb: {  	[sflag:s13] =	ssyncadd.s32 $0xFFFE8000;
	_ =	sdelay $0x2  }
0xcc: {  	_ =	swait.ge [sflag:s13], $0x18000  }
0xcd: {  	[sflag:s13] =	ssyncset.done $0x0  }
0xce: {  	s25 =	sadd.s32 $0x48000, s8;
	[sflag:s13] =	ssyncadd.s32 $0xFFFE8000  }
0xcf: {  	s4 =	sadd.s32 s25, s4  }
0xd0: {  	[spmem:s16], [sflag:s7] =	dma.local [hbm:s4], $0x18000  }
0xd1: {  	_ =	swait.ge [sflag:s7], $0x18000  }
0xd2: {  	s3 =	sadd.s32 s25, s31;
	s26 =	sadd.s32 $0x108000, s6;
	[sflag:s7] =	ssyncset.done $0x0  }
0xd3: {  	s28 =	sadd.s32 $0x1C8000, s6;
	s29 =	sadd.s32 $0x288000, s6;
	[sflag:s7] =	ssyncadd.s32 $0xFFFE8000  }
0xd4: {  	[hbm:s3], [sflag:s13] =	dma.local [spmem:s16], $0x18000  }
0xd5: {  	[hbm:s26], [sflag:s13] =	dma.local [spmem:s16], $0x18000  }
0xd6: {  	[hbm:s28], [sflag:s13] =	dma.local [spmem:s16], $0x18000  }
0xd7: {  	[hbm:s29], [sflag:s13] =	dma.local [spmem:s16], $0x18000  }
0xd8: {  	_ =	swait.ge [sflag:s13], $0x18000  }
0xd9: {  	[sflag:s13] =	ssyncset.done $0x0  }
0xda: {  	[sflag:s13] =	ssyncadd.s32 $0xFFFE8000;
	_ =	sdelay $0x2  }
0xdb: {  	_ =	swait.ge [sflag:s13], $0x18000  }
0xdc: {  	[sflag:s13] =	ssyncset.done $0x0  }
0xdd: {  	[sflag:s13] =	ssyncadd.s32 $0xFFFE8000;
	_ =	sdelay $0x2  }
0xde: {  	_ =	swait.ge [sflag:s13], $0x18000  }
0xdf: {  	[sflag:s13] =	ssyncset.done $0x0  }
0xe0: {  	[sflag:s13] =	ssyncadd.s32 $0xFFFE8000;
	_ =	sdelay $0x2  }
0xe1: {  	_ =	swait.ge [sflag:s13], $0x18000  }
0xe2: {  	[sflag:s13] =	ssyncset.done $0x0  }
0xe3: {  	[sflag:s13] =	ssyncadd.s32 $0xFFFE8000;
	_ =	sdelay $0x2  }
0xe4: {  	_ =	swait.ge [sflag:s13], $0x18000  }
0xe5: {  	[sflag:s13] =	ssyncset.done $0x0  }
0xe6: {  	[sflag:s13] =	ssyncadd.s32 $0xFFFE8000;
	_ =	sdelay $0x2  }
0xe7: {  	_ =	swait.ge [sflag:s13], $0x18000  }
0xe8: {  	[sflag:s13] =	ssyncset.done $0x0  }
0xe9: {  	[sflag:s13] =	ssyncadd.s32 $0xFFFE8000;
	_ =	sdelay $0x2  }
0xea: {  	_ =	swait.ge [sflag:s13], $0x18000  }
0xeb: {  	[sflag:s13] =	ssyncset.done $0x0  }
0xec: {  	[sflag:s13] =	ssyncadd.s32 $0xFFFE8000;
	_ =	sdelay $0x2  }
0xed: {  	_ =	swait.ge [sflag:s13], $0x18000  }
0xee: {  	[sflag:s13] =	ssyncset.done $0x0  }
0xef: {  	[sflag:s13] =	ssyncadd.s32 $0xFFFE8000  }
0xf0: {  	_ =	strace $0x90000046  }
0xf1: {  	_ =	sfence  }
0xf2: {  	s30 =	sld [smem:$0x0];
	_ =	sdelay $0x2  }
0xf3: {  	s31 =	sshll.u32 s1, $0xD;
	s1 =	sshrl.u32 s1, $0x2  }
0xf4: {  	s3 =	sand.u32 $0x4000, s31;
	s1 =	sadd.s32 s1, s30  }
0xf5: {  	s0 =	sor.u32 s3, s0;
	s1 =	sshll.u32 s1, $0x11  }
0xf6: {  	s0 =	sor.u32 s1, s0  }
0xf7: {  	s0 =	sadd.s32 $0x8F2B, s0;
	(pc) =	sbr.abs _section_cstart, $3  }
0xf8: {  	[sflag:s0] =	ssyncadd.remote.s32 $0x1  }
0xf9: {  	_ =	strace $0x9FFFFFFF  }
0xfa: {  	(tm) =	ssettm $0x7FFFFFFF  }
0xfb: {  	_ =	shalt  }

</sc_bundles>
